<compile_context>
chip_gen: v7x
topology: tpu7x:2x2x1
jax: 0.10.2.dev20260603
libtpu: 0.0.44.dev20260713+nightly
codegen_flags: <defaults>
</compile_context>

<pallas_src>
import functools

import jax
import jax.numpy as jnp
from jax import lax
from jax.experimental import pallas as pl
from jax.experimental.pallas import tpu as pltpu
from jax.experimental.pallas import tpu_sc as plsc

N_NODES = 10000
N_EDGES = 320000
D = 128

NC = 2
NS = 16
NW = NC * NS

CHUNK = 128
N_CHUNKS = 80
PER_TILE = N_CHUNKS * CHUNK
E_PAD = PER_TILE * NW

TILE_ROWS = 632
ACC_ROWS = TILE_ROWS * NS

_MM_BLK = 2000



def _mm_body(x_ref, w_ref, ws_ref, xw_ref, xself_ref):
    xb = x_ref[...]
    xw_ref[...] = jnp.dot(xb, w_ref[...], preferred_element_type=jnp.float32)
    xself_ref[...] = jnp.dot(xb, ws_ref[...], preferred_element_type=jnp.float32)


def _matmul2(x, w, ws):
    grid = (N_NODES // _MM_BLK,)
    return pl.pallas_call(
        _mm_body,
        grid=grid,
        in_specs=[
            pl.BlockSpec((_MM_BLK, D), lambda i: (i, 0)),
            pl.BlockSpec((D, D), lambda i: (0, 0)),
            pl.BlockSpec((D, D), lambda i: (0, 0)),
        ],
        out_specs=[
            pl.BlockSpec((_MM_BLK, D), lambda i: (i, 0)),
            pl.BlockSpec((_MM_BLK, D), lambda i: (i, 0)),
        ],
        out_shape=[
            jax.ShapeDtypeStruct((N_NODES, D), jnp.float32),
            jax.ShapeDtypeStruct((N_NODES, D), jnp.float32),
        ],
    )(x, w, ws)



_sc_mesh = plsc.VectorSubcoreMesh(core_axis_name="c", subcore_axis_name="s")


@functools.partial(
    pl.kernel,
    mesh=_sc_mesh,
    out_type=jax.ShapeDtypeStruct((NC, ACC_ROWS, D), jnp.float32),
    scratch_types=[
        pltpu.VMEM_SHARED((ACC_ROWS, D), jnp.float32),
        pltpu.VMEM((CHUNK,), jnp.int32),
        pltpu.VMEM((CHUNK,), jnp.int32),
        pltpu.VMEM((CHUNK, D), jnp.float32),
        pltpu.SemaphoreType.DMA,
    ],
)
def _sc_scatter(xw_hbm, src_hbm, dst_hbm, z_hbm, out_hbm,
                acc, src_v, dst_v, rows, gsem):
    c = lax.axis_index("c")
    s = lax.axis_index("s")
    w = c * NS + s

    pltpu.sync_copy(z_hbm, acc.at[pl.ds(s * TILE_ROWS, TILE_ROWS)])
    plsc.subcore_barrier()

    def chunk_body(j, carry):
        base = w * (N_CHUNKS * CHUNK) + j * CHUNK
        pltpu.sync_copy(src_hbm.at[pl.ds(base, CHUNK)], src_v)
        pltpu.sync_copy(dst_hbm.at[pl.ds(base, CHUNK)], dst_v)
        pltpu.async_copy(xw_hbm.at[src_v], rows, gsem).wait()
        pltpu.sync_copy(rows, acc.at[dst_v], add=True)
        return carry

    lax.fori_loop(0, N_CHUNKS, chunk_body, 0)
    plsc.subcore_barrier()

    plsc.subcore_barrier()

    pltpu.sync_copy(acc.at[pl.ds(s * TILE_ROWS, TILE_ROWS)],
                    out_hbm.at[c, pl.ds(s * TILE_ROWS, TILE_ROWS)])



def _add_body(p_ref, s_ref, o_ref):
    o_ref[...] = p_ref[0] + p_ref[1] + s_ref[...]


def _combine(partial, xself):
    grid = (N_NODES // _MM_BLK,)
    return pl.pallas_call(
        _add_body,
        grid=grid,
        in_specs=[
            pl.BlockSpec((NC, _MM_BLK, D), lambda i: (0, i, 0)),
            pl.BlockSpec((_MM_BLK, D), lambda i: (i, 0)),
        ],
        out_specs=pl.BlockSpec((_MM_BLK, D), lambda i: (i, 0)),
        out_shape=jax.ShapeDtypeStruct((N_NODES, D), jnp.float32),
    )(partial, xself)


def kernel(x, edge_index, weight, weight_self):
    xw, xself = _matmul2(x, weight, weight_self)
    src = edge_index[0]
    dst = edge_index[1]
    real_per_tile = N_EDGES // NW
    pad_per_tile = N_CHUNKS * CHUNK - real_per_tile
    n_trash = ACC_ROWS - N_NODES
    pad_src = jnp.broadcast_to(
        jnp.arange(pad_per_tile, dtype=jnp.int32) % N_NODES,
        (NW, pad_per_tile))
    pad_dst = jnp.broadcast_to(
        N_NODES + jnp.arange(pad_per_tile, dtype=jnp.int32) % n_trash,
        (NW, pad_per_tile))
    src_p = jnp.concatenate(
        [src.reshape(NW, real_per_tile), pad_src], axis=1).reshape(-1)
    dst_p = jnp.concatenate(
        [dst.reshape(NW, real_per_tile), pad_dst], axis=1).reshape(-1)
    z_rows = jnp.zeros((TILE_ROWS, D), jnp.float32)
    partial = _sc_scatter(xw, src_p, dst_p, z_rows)
    return _combine(partial, xself)

# --- scband reference (transcript-rebuilt; emitter-appended) ---
"""Pipeline reference for scband-general-conv-4363686772850 (READ-ONLY COPY).

The authoritative reference and input builder live on the scoring server;
editing this copy changes nothing except your own understanding.
"""

import jax, jax.numpy as jnp
import numpy as np

N_NODES = 10000
N_EDGES = 320000
D_IN = 128
D_OUT = 128


def _glorot(key, shape):
    fan_in, fan_out = shape[0], shape[1]
    s = np.sqrt(6.0 / (fan_in + fan_out))
    return jax.random.uniform(key, shape, dtype=jnp.float32, minval=-s, maxval=s)


def setup_inputs(seed: int = 0) -> dict:
    key = jax.random.key(seed)
    k1, k2, k3, k4 = jax.random.split(key, 4)
    x = jax.random.normal(k1, (N_NODES, D_IN), dtype=jnp.float32)
    edge_index = jax.random.randint(k2, (2, N_EDGES), 0, N_NODES, dtype=jnp.int32)
    weight = _glorot(k3, (D_IN, D_OUT))
    weight_self = _glorot(k4, (D_IN, D_OUT))
    return {"x": x, "edge_index": edge_index, "weight": weight, "weight_self": weight_self}


def reference(x, edge_index, weight, weight_self):
    # GeneralConvLayer forward with GraphGym defaults:
    #   cfg.gnn.self_msg == 'concat' (separate self weight, added to aggregated msg)
    #   cfg.gnn.normalize_adj == False -> norm is None, message = x_j
    #   cfg.gnn.agg == 'add' -> sum aggregation at target nodes
    #   bias=False (GeneralConv passes bias=False)
    x_self = jnp.matmul(x, weight_self)
    xw = jnp.matmul(x, weight)
    src = edge_index[0]
    dst = edge_index[1]
    msg = jnp.take(xw, src, axis=0)          # gather x_j (memory-bound)
    x_msg = jax.ops.segment_sum(msg, dst, num_segments=N_NODES)  # scatter-add
    return x_msg + x_self

if __name__ == "__main__":
    import jax
    _d = setup_inputs()
    print(jax.jit(kernel)(*tuple(_d.values())))

</pallas_src>

<mosaic_0001>
#map = affine_map<(d0, d1) -> (0, 0)>
#map1 = affine_map<(d0, d1) -> (0)>
#map2 = affine_map<(d0, d1) -> (0, 0, 0)>
module attributes {stable_mosaic.version = 14 : i64} {
  func.func @_sc_scatter(%arg0: i32, %arg1: i32, %arg2: memref<10000x128xf32, #tpu.memory_space<hbm>>, %arg3: memref<327680xi32, #tpu.memory_space<hbm>>, %arg4: memref<327680xi32, #tpu.memory_space<hbm>>, %arg5: memref<632x128xf32, #tpu.memory_space<hbm>>, %arg6: memref<2x10112x128xf32, #tpu.memory_space<hbm>>, %arg7: memref<10112x128xf32, #tpu.memory_space<vmem_shared>>, %arg8: memref<128xi32, #tpu.memory_space<vmem>>, %arg9: memref<128xi32, #tpu.memory_space<vmem>>, %arg10: memref<128x128xf32, #tpu.memory_space<vmem>>, %arg11: memref<!tpu.dma_semaphore, #tpu.memory_space<semaphore_mem>>) attributes {dimension_semantics = [#tpu.dimension_semantics<core_parallel>, #tpu.dimension_semantics<subcore_parallel>], iteration_bounds = array<i64: 2, 16>, scalar_prefetch = 0 : i64, scratch_operands = 5 : i64, tpu.core_type = #tpu.core_type<sc_vector_subcore>, window_params = [{transform_indices = #map}, {transform_indices = #map1}, {transform_indices = #map1}, {transform_indices = #map}, {transform_indices = #map2}]} {
    %mul3A = arith.constant 16 : i32
    %mul3A_0 = arith.muli %arg0, %mul3A : i32
    %add3A = arith.addi %mul3A_0, %arg1 : i32
    %mul3A_1 = arith.constant 632 : i32
    %mul3A_2 = arith.muli %arg1, %mul3A_1 : i32
    "tpu.region"() ({
      %run_scoped3A = tpu.sem_alloc : memref<!tpu.dma_semaphore, #tpu.memory_space<semaphore_mem>>
      %dma_start3A = arith.constant 0 : i32
      %dma_start3A_14 = tpu.memref_slice %arg7[%mul3A_2, %dma_start3A] : memref<10112x128xf32, #tpu.memory_space<vmem_shared>> -> memref<632x128xf32, #tpu.memory_space<vmem_shared>>
      tpu.enqueue_dma source(%arg5 : memref<632x128xf32, #tpu.memory_space<hbm>>) target(%dma_start3A_14 : memref<632x128xf32, #tpu.memory_space<vmem_shared>>) target_semaphore(%run_scoped3A : memref<!tpu.dma_semaphore, #tpu.memory_space<semaphore_mem>>)
      %dma_wait3A = arith.constant 0 : i32
      %dma_wait3A_15 = tpu.memref_slice %arg7[%mul3A_2, %dma_wait3A] : memref<10112x128xf32, #tpu.memory_space<vmem_shared>> -> memref<632x128xf32, #tpu.memory_space<vmem_shared>>
      tpu.wait_dma2 semaphore(%run_scoped3A : memref<!tpu.dma_semaphore, #tpu.memory_space<semaphore_mem>>) src(%arg5 : memref<632x128xf32, #tpu.memory_space<hbm>>) dst(%dma_wait3A_15 : memref<632x128xf32, #tpu.memory_space<vmem_shared>>)
      tpu.yield
    }) : () -> ()
    %barrier3A = arith.constant 0 : index
    tpu.barrier barrier_id(%barrier3A)
    %scan3A = arith.constant 0 : i32
    %scan3A_3 = arith.constant 0 : i32
    %scan3A_4 = arith.constant 80 : i32
    %scan3A_5 = arith.addi %scan3A_3, %scan3A_4 : i32
    %scan3A_6 = arith.constant 1 : i32
    scf.for %scan3A_14 = %scan3A_3 to %scan3A_5 step %scan3A_6  : i32 {
      %mul3A_15 = arith.constant 10240 : i32
      %mul3A_16 = arith.muli %add3A, %mul3A_15 : i32
      %mul3A_17 = arith.constant 128 : i32
      %mul3A_18 = arith.muli %scan3A_14, %mul3A_17 : i32
      %add3A_19 = arith.addi %mul3A_16, %mul3A_18 : i32
      "tpu.region"() ({
        %run_scoped3A = tpu.sem_alloc : memref<!tpu.dma_semaphore, #tpu.memory_space<semaphore_mem>>
        %dma_start3A_24 = tpu.memref_slice %arg3[%add3A_19] : memref<327680xi32, #tpu.memory_space<hbm>> -> memref<128xi32, #tpu.memory_space<hbm>>
        %dma_start3A_25 = tpu.memref_slice %arg3[%add3A_19] : memref<327680xi32, #tpu.memory_space<hbm>> -> memref<128xi32, #tpu.memory_space<hbm>>
        tpu.enqueue_dma source(%dma_start3A_25 : memref<128xi32, #tpu.memory_space<hbm>>) target(%arg8 : memref<128xi32, #tpu.memory_space<vmem>>) target_semaphore(%run_scoped3A : memref<!tpu.dma_semaphore, #tpu.memory_space<semaphore_mem>>)
        %dma_wait3A_26 = tpu.memref_slice %arg3[%add3A_19] : memref<327680xi32, #tpu.memory_space<hbm>> -> memref<128xi32, #tpu.memory_space<hbm>>
        %dma_wait3A_27 = tpu.memref_slice %arg3[%add3A_19] : memref<327680xi32, #tpu.memory_space<hbm>> -> memref<128xi32, #tpu.memory_space<hbm>>
        tpu.wait_dma2 semaphore(%run_scoped3A : memref<!tpu.dma_semaphore, #tpu.memory_space<semaphore_mem>>) src(%dma_wait3A_27 : memref<128xi32, #tpu.memory_space<hbm>>) dst(%arg8 : memref<128xi32, #tpu.memory_space<vmem>>)
        tpu.yield
      }) : () -> ()
      "tpu.region"() ({
        %run_scoped3A = tpu.sem_alloc : memref<!tpu.dma_semaphore, #tpu.memory_space<semaphore_mem>>
        %dma_start3A_24 = tpu.memref_slice %arg4[%add3A_19] : memref<327680xi32, #tpu.memory_space<hbm>> -> memref<128xi32, #tpu.memory_space<hbm>>
        %dma_start3A_25 = tpu.memref_slice %arg4[%add3A_19] : memref<327680xi32, #tpu.memory_space<hbm>> -> memref<128xi32, #tpu.memory_space<hbm>>
        tpu.enqueue_dma source(%dma_start3A_25 : memref<128xi32, #tpu.memory_space<hbm>>) target(%arg9 : memref<128xi32, #tpu.memory_space<vmem>>) target_semaphore(%run_scoped3A : memref<!tpu.dma_semaphore, #tpu.memory_space<semaphore_mem>>)
        %dma_wait3A_26 = tpu.memref_slice %arg4[%add3A_19] : memref<327680xi32, #tpu.memory_space<hbm>> -> memref<128xi32, #tpu.memory_space<hbm>>
        %dma_wait3A_27 = tpu.memref_slice %arg4[%add3A_19] : memref<327680xi32, #tpu.memory_space<hbm>> -> memref<128xi32, #tpu.memory_space<hbm>>
        tpu.wait_dma2 semaphore(%run_scoped3A : memref<!tpu.dma_semaphore, #tpu.memory_space<semaphore_mem>>) src(%dma_wait3A_27 : memref<128xi32, #tpu.memory_space<hbm>>) dst(%arg9 : memref<128xi32, #tpu.memory_space<vmem>>)
        tpu.yield
      }) : () -> ()
      %dma_start3A = arith.constant 0 : i32
      %dma_start3A_20 = arith.constant 0 : i32
      %dma_start3A_21 = tpu.memref_slice %arg2[%dma_start3A, %dma_start3A_20] : memref<10000x128xf32, #tpu.memory_space<hbm>> -> memref<10000x128xf32, #tpu.memory_space<hbm>>
      tpu.enqueue_indirect_dma source(%dma_start3A_21 : memref<10000x128xf32, #tpu.memory_space<hbm>>) target(%arg10 : memref<128x128xf32, #tpu.memory_space<vmem>>) offsets(%arg8 : memref<128xi32, #tpu.memory_space<vmem>>) semaphore(%arg11 : memref<!tpu.dma_semaphore, #tpu.memory_space<semaphore_mem>>)
      %dma_wait3A = arith.constant 0 : i32
      %dma_wait3A_22 = arith.constant 0 : i32
      %dma_wait3A_23 = tpu.memref_slice %arg2[%dma_wait3A, %dma_wait3A_22] : memref<10000x128xf32, #tpu.memory_space<hbm>> -> memref<10000x128xf32, #tpu.memory_space<hbm>>
      tpu.wait_indirect_dma semaphore(%arg11 : memref<!tpu.dma_semaphore, #tpu.memory_space<semaphore_mem>>) src(%dma_wait3A_23 : memref<10000x128xf32, #tpu.memory_space<hbm>>) dst(%arg10 : memref<128x128xf32, #tpu.memory_space<vmem>>)
      "tpu.region"() ({
        %run_scoped3A = tpu.sem_alloc : memref<!tpu.dma_semaphore, #tpu.memory_space<semaphore_mem>>
        %dma_start3A_24 = arith.constant 0 : i32
        %dma_start3A_25 = arith.constant 0 : i32
        %dma_start3A_26 = tpu.memref_slice %arg7[%dma_start3A_24, %dma_start3A_25] : memref<10112x128xf32, #tpu.memory_space<vmem_shared>> -> memref<10112x128xf32, #tpu.memory_space<vmem_shared>>
        tpu.enqueue_indirect_dma source(%arg10 : memref<128x128xf32, #tpu.memory_space<vmem>>) target(%dma_start3A_26 : memref<10112x128xf32, #tpu.memory_space<vmem_shared>>) offsets(%arg9 : memref<128xi32, #tpu.memory_space<vmem>>) semaphore(%run_scoped3A : memref<!tpu.dma_semaphore, #tpu.memory_space<semaphore_mem>>) {add = true}
        %dma_wait3A_27 = arith.constant 0 : i32
        %dma_wait3A_28 = arith.constant 0 : i32
        %dma_wait3A_29 = tpu.memref_slice %arg7[%dma_wait3A_27, %dma_wait3A_28] : memref<10112x128xf32, #tpu.memory_space<vmem_shared>> -> memref<10112x128xf32, #tpu.memory_space<vmem_shared>>
        tpu.wait_indirect_dma semaphore(%run_scoped3A : memref<!tpu.dma_semaphore, #tpu.memory_space<semaphore_mem>>) src(%arg10 : memref<128x128xf32, #tpu.memory_space<vmem>>) dst(%dma_wait3A_29 : memref<10112x128xf32, #tpu.memory_space<vmem_shared>>)
        tpu.yield
      }) : () -> ()
    }
    %scan3A_7 = arith.constant 80 : i32
    %barrier3A_8 = arith.constant 0 : index
    tpu.barrier barrier_id(%barrier3A_8)
    %barrier3A_9 = arith.constant 0 : index
    tpu.barrier barrier_id(%barrier3A_9)
    %mul3A_10 = arith.constant 632 : i32
    %mul3A_11 = arith.muli %arg1, %mul3A_10 : i32
    %mul3A_12 = arith.constant 632 : i32
    %mul3A_13 = arith.muli %arg1, %mul3A_12 : i32
    "tpu.region"() ({
      %run_scoped3A = tpu.sem_alloc : memref<!tpu.dma_semaphore, #tpu.memory_space<semaphore_mem>>
      %dma_start3A = arith.constant 0 : i32
      %dma_start3A_14 = tpu.memref_slice %arg6[%arg0, %mul3A_13, %dma_start3A] : memref<2x10112x128xf32, #tpu.memory_space<hbm>> -> memref<1x632x128xf32, #tpu.memory_space<hbm>>
      %dma_start3A_15 = tpu.memref_squeeze %dma_start3A_14 : memref<1x632x128xf32, #tpu.memory_space<hbm>> -> memref<632x128xf32, #tpu.memory_space<hbm>>
      %dma_start3A_16 = arith.constant 0 : i32
      %dma_start3A_17 = tpu.memref_slice %arg7[%mul3A_11, %dma_start3A_16] : memref<10112x128xf32, #tpu.memory_space<vmem_shared>> -> memref<632x128xf32, #tpu.memory_space<vmem_shared>>
      tpu.enqueue_dma source(%dma_start3A_17 : memref<632x128xf32, #tpu.memory_space<vmem_shared>>) target(%dma_start3A_15 : memref<632x128xf32, #tpu.memory_space<hbm>>) target_semaphore(%run_scoped3A : memref<!tpu.dma_semaphore, #tpu.memory_space<semaphore_mem>>)
      %dma_wait3A = arith.constant 0 : i32
      %dma_wait3A_18 = tpu.memref_slice %arg6[%arg0, %mul3A_13, %dma_wait3A] : memref<2x10112x128xf32, #tpu.memory_space<hbm>> -> memref<1x632x128xf32, #tpu.memory_space<hbm>>
      %dma_wait3A_19 = tpu.memref_squeeze %dma_wait3A_18 : memref<1x632x128xf32, #tpu.memory_space<hbm>> -> memref<632x128xf32, #tpu.memory_space<hbm>>
      %dma_wait3A_20 = arith.constant 0 : i32
      %dma_wait3A_21 = tpu.memref_slice %arg7[%mul3A_11, %dma_wait3A_20] : memref<10112x128xf32, #tpu.memory_space<vmem_shared>> -> memref<632x128xf32, #tpu.memory_space<vmem_shared>>
      tpu.wait_dma2 semaphore(%run_scoped3A : memref<!tpu.dma_semaphore, #tpu.memory_space<semaphore_mem>>) src(%dma_wait3A_21 : memref<632x128xf32, #tpu.memory_space<vmem_shared>>) dst(%dma_wait3A_19 : memref<632x128xf32, #tpu.memory_space<hbm>>)
      tpu.yield
    }) : () -> ()
    return
  }
}

module attributes {stable_mosaic.version = 14 : i64} {
  func.func @_mm_body(%arg0: i32, %arg1: memref<2000x128xf32, #tpu.memory_space<vmem>>, %arg2: memref<128x128xf32, #tpu.memory_space<vmem>>, %arg3: memref<128x128xf32, #tpu.memory_space<vmem>>, %arg4: memref<2000x128xf32, #tpu.memory_space<vmem>>, %arg5: memref<2000x128xf32, #tpu.memory_space<vmem>>) attributes {dimension_semantics = [#tpu.dimension_semantics<arbitrary>], iteration_bounds = array<i64: 5>, scalar_prefetch = 0 : i64, scratch_operands = 0 : i64, tpu.core_type = #tpu.core_type<tc>, window_params = [{transform_indices = @transform_0, window_bounds = array<i64: 2000, 128>}, {pipeline_mode = #tpu.pipeline_mode<synchronous>, transform_indices = @transform_1, window_bounds = array<i64: 128, 128>}, {pipeline_mode = #tpu.pipeline_mode<synchronous>, transform_indices = @transform_2, window_bounds = array<i64: 128, 128>}, {transform_indices = @transform_3, window_bounds = array<i64: 2000, 128>}, {transform_indices = @transform_4, window_bounds = array<i64: 2000, 128>}]} {
    %get3A = arith.constant 0 : index
    %get3A_0 = arith.constant 0 : index
    %get3A_1 = vector.load %arg1[%get3A, %get3A_0] : memref<2000x128xf32, #tpu.memory_space<vmem>>, vector<2000x128xf32>
    %get3A_2 = arith.constant 0 : index
    %get3A_3 = arith.constant 0 : index
    %get3A_4 = vector.load %arg2[%get3A_2, %get3A_3] : memref<128x128xf32, #tpu.memory_space<vmem>>, vector<128x128xf32>
    %dot_general3A = arith.constant dense<0.000000e+00> : vector<2000x128xf32>
    %dot_general3A_5 = tpu.matmul %get3A_1, %get3A_4, %dot_general3A {dimension_numbers = #tpu.dot_dimension_numbers<[1], [0], [0], [1], [0, 0, 1, 1], [], []>, transpose_lhs_hint = false} : vector<2000x128xf32>, vector<128x128xf32>, vector<2000x128xf32> -> vector<2000x128xf32>
    %swap3A = arith.constant 0 : index
    %swap3A_6 = arith.constant 0 : index
    %swap3A_7 = vector.load %arg4[%swap3A, %swap3A_6] : memref<2000x128xf32, #tpu.memory_space<vmem>>, vector<2000x128xf32>
    tpu.vector_store %arg4[%swap3A, %swap3A_6], %dot_general3A_5 {strides = array<i32>} : memref<2000x128xf32, #tpu.memory_space<vmem>>, vector<2000x128xf32>,
    %get3A_8 = arith.constant 0 : index
    %get3A_9 = arith.constant 0 : index
    %get3A_10 = vector.load %arg3[%get3A_8, %get3A_9] : memref<128x128xf32, #tpu.memory_space<vmem>>, vector<128x128xf32>
    %dot_general3A_11 = arith.constant dense<0.000000e+00> : vector<2000x128xf32>
    %dot_general3A_12 = tpu.matmul %get3A_1, %get3A_10, %dot_general3A_11 {dimension_numbers = #tpu.dot_dimension_numbers<[1], [0], [0], [1], [0, 0, 1, 1], [], []>, transpose_lhs_hint = false} : vector<2000x128xf32>, vector<128x128xf32>, vector<2000x128xf32> -> vector<2000x128xf32>
    %swap3A_13 = arith.constant 0 : index
    %swap3A_14 = arith.constant 0 : index
    %swap3A_15 = vector.load %arg5[%swap3A_13, %swap3A_14] : memref<2000x128xf32, #tpu.memory_space<vmem>>, vector<2000x128xf32>
    tpu.vector_store %arg5[%swap3A_13, %swap3A_14], %dot_general3A_12 {strides = array<i32>} : memref<2000x128xf32, #tpu.memory_space<vmem>>, vector<2000x128xf32>,
    return
  }
  func.func @transform_0(%arg0: i32) -> (i32, i32) {
    %c0_i32 = arith.constant 0 : i32
    %c0_i32_0 = arith.constant 0 : i32
    return %arg0, %c0_i32 : i32, i32
  }
  func.func @transform_1(%arg0: i32) -> (i32, i32) {
    %c0_i32 = arith.constant 0 : i32
    %c0_i32_0 = arith.constant 0 : i32
    %c0_i32_1 = arith.constant 0 : i32
    return %c0_i32, %c0_i32_0 : i32, i32
  }
  func.func @transform_2(%arg0: i32) -> (i32, i32) {
    %c0_i32 = arith.constant 0 : i32
    %c0_i32_0 = arith.constant 0 : i32
    %c0_i32_1 = arith.constant 0 : i32
    return %c0_i32, %c0_i32_0 : i32, i32
  }
  func.func @transform_3(%arg0: i32) -> (i32, i32) {
    %c0_i32 = arith.constant 0 : i32
    %c0_i32_0 = arith.constant 0 : i32
    return %arg0, %c0_i32 : i32, i32
  }
  func.func @transform_4(%arg0: i32) -> (i32, i32) {
    %c0_i32 = arith.constant 0 : i32
    %c0_i32_0 = arith.constant 0 : i32
    return %arg0, %c0_i32 : i32, i32
  }
}

module attributes {stable_mosaic.version = 14 : i64} {
  func.func @_add_body(%arg0: i32, %arg1: memref<2x2000x128xf32, #tpu.memory_space<vmem>>, %arg2: memref<2000x128xf32, #tpu.memory_space<vmem>>, %arg3: memref<2000x128xf32, #tpu.memory_space<vmem>>) attributes {dimension_semantics = [#tpu.dimension_semantics<arbitrary>], iteration_bounds = array<i64: 5>, scalar_prefetch = 0 : i64, scratch_operands = 0 : i64, tpu.core_type = #tpu.core_type<tc>, window_params = [{transform_indices = @transform_0, window_bounds = array<i64: 2, 2000, 128>}, {transform_indices = @transform_1, window_bounds = array<i64: 2000, 128>}, {transform_indices = @transform_2, window_bounds = array<i64: 2000, 128>}]} {
    %get3A = arith.constant 0 : index
    %get3A_0 = arith.constant 0 : index
    %get3A_1 = arith.constant 0 : index
    %get3A_2 = vector.load %arg1[%get3A, %get3A_0, %get3A_1] : memref<2x2000x128xf32, #tpu.memory_space<vmem>>, vector<1x2000x128xf32>
    %get3A_3 = vector.shape_cast %get3A_2 : vector<1x2000x128xf32> to vector<2000x128xf32>
    %get3A_4 = arith.constant 1 : index
    %get3A_5 = arith.constant 0 : index
    %get3A_6 = arith.constant 0 : index
    %get3A_7 = vector.load %arg1[%get3A_4, %get3A_5, %get3A_6] : memref<2x2000x128xf32, #tpu.memory_space<vmem>>, vector<1x2000x128xf32>
    %get3A_8 = vector.shape_cast %get3A_7 : vector<1x2000x128xf32> to vector<2000x128xf32>
    %add3A = arith.addf %get3A_3, %get3A_8 : vector<2000x128xf32>
    %get3A_9 = arith.constant 0 : index
    %get3A_10 = arith.constant 0 : index
    %get3A_11 = vector.load %arg2[%get3A_9, %get3A_10] : memref<2000x128xf32, #tpu.memory_space<vmem>>, vector<2000x128xf32>
    %add3A_12 = arith.addf %add3A, %get3A_11 : vector<2000x128xf32>
    %swap3A = arith.constant 0 : index
    %swap3A_13 = arith.constant 0 : index
    %swap3A_14 = vector.load %arg3[%swap3A, %swap3A_13] : memref<2000x128xf32, #tpu.memory_space<vmem>>, vector<2000x128xf32>
    tpu.vector_store %arg3[%swap3A, %swap3A_13], %add3A_12 {strides = array<i32>} : memref<2000x128xf32, #tpu.memory_space<vmem>>, vector<2000x128xf32>,
    return
  }
  func.func @transform_0(%arg0: i32) -> (i32, i32, i32) {
    %c0_i32 = arith.constant 0 : i32
    %c0_i32_0 = arith.constant 0 : i32
    %c0_i32_1 = arith.constant 0 : i32
    return %c0_i32, %arg0, %c0_i32_0 : i32, i32, i32
  }
  func.func @transform_1(%arg0: i32) -> (i32, i32) {
    %c0_i32 = arith.constant 0 : i32
    %c0_i32_0 = arith.constant 0 : i32
    return %arg0, %c0_i32 : i32, i32
  }
  func.func @transform_2(%arg0: i32) -> (i32, i32) {
    %c0_i32 = arith.constant 0 : i32
    %c0_i32_0 = arith.constant 0 : i32
    return %arg0, %c0_i32 : i32, i32
  }
}

</mosaic_0001>

<sc_bundles>
// kernel: kernel.5.cloned.1.call-start
scs
__scs_entry_jumppad:
0x0: {  	(pc) =	sbr.rel $0x88, $3  }
0x1: {  	(tag) =	ssettag $0x0;
	lr =	simm.s32 $0x1  }
0x2: {  	[smem:$0x3F9D] =	sst lr;
	_ =	strace $0xD0000000  }
0x3: {  	_ = 	snop  }
0x4: {  	_ = 	snop  }
0x5: {  	_ = 	snop  }
0x6: {  	_ = 	snop  }
0x7: {  	_ = 	snop  }
__scs_overlays_trampoline_lowered:
0x8: {  	[smem:$0x3FAC] =	sst s0  }
0x9: {  	[smem:$0x3FAD] =	sst s1  }
0xa: {  	[smem:$0x3FAE] =	sst s2  }
0xb: {  	[smem:$0x3FAF] =	sst s3  }
0xc: {  	[smem:$0x3FB0] =	sst s4  }
0xd: {  	[smem:$0x3FB1] =	sst s5  }
0xe: {  	[smem:$0x3FB2] =	sst s6  }
0xf: {  	[smem:$0x3FB3] =	sst s7  }
0x10: {  	[smem:$0x3FB4] =	sst s8  }
0x11: {  	[smem:$0x3FB5] =	sst s9;
	s0 =	simm.s32 @!p0 $0x0  }
0x12: {  	s1 =	sld [smem:$0x3F9B];
	s0 =	simm.s32 @p0 $0x1  }
0x13: {  	[smem:$0x3FB6] =	sst s0;
	s0 =	simm.s32 @!p1 $0x0  }
0x14: {  	s2 =	sld [smem:$0x3F9A];
	s0 =	simm.s32 @p1 $0x1  }
0x15: {  	[smem:$0x3FB7] =	sst s0;
	s0 =	simm.s32 @!p2 $0x0  }
0x16: {  	s3 =	sld [smem:$0x3FDB];
	s0 =	simm.s32 @p2 $0x1  }
0x17: {  	s4 =	simm.s32 $0x1BF5;
	[smem:$0x3FB9] =	sst s0  }
0x18: {  	s0 =	sld [smem:$0x3F9C];
	_ =	swait.ge [sflag:s4], $0x0  }
0x19: {  	s7 =	sld [smem:$0x3F9D]  }
0x1a: {  	s8 =	sadd.s32 $0xFFFFE003, lr  }
0x1b: {  	s9 =	sadd.s32 $0xFFFFFEF7, lr;
	s5 =	simm.s32 $0xFFFFFFFF;
	p2 =	slt.u32 s8, $0xFFFFF086  }
0x1c: {  	p1 =	slt.u32 s9, $0xF7A;
	s5 =	simm.s32 @!p2 $0x0  }
0x1d: {  	s5 =	simm.s32 @p1 $0x1;
	p0 =	seq.s32 s7, s2  }
0x1e: {  	s7 =	smul.u32 @!p0 $0xF7A, s2;
	p2 =	seq.s32 @!p0 s5, $0x0  }
0x1f: {  	s9 =	smul.u32 $0xF7A, s1;
	s8 =	simm.s32 @!p0 $0x1BF5;
	p2 =	por !p2, p0  }
0x20: {  	[sflag:s8] =	ssyncset.s32 @!p0 $0xFFFFF086;
	s6 =	sadd.s32 @!p0 s3, s7;
	s7 =	simm.s32 @!p0 $0x108  }
0x21: {  	s3 =	sadd.s32 s3, s9;
	s6 =	sadd.s32 @!p0 $0x88, s6;
	s7 =	simm.s32 @p2 $0x1082  }
0x22: {  	[simem:s7], [sflag:s8] =	dma.local @!p0 [hbm:s6], $0xF7A  }
0x23: {  	s9 =	sor.u32 $0xD0000000, s2;
	s6 =	simm.s32 $0x108;
	_ =	swait.ge @!p0 [sflag:s8], $0x0  }
0x24: {  	s3 =	sadd.s32 $0x88, s3;
	s6 =	simm.s32 @!p1 $0x1082;
	[sflag:s4] =	ssyncset.s32 $0xFFFFF086  }
0x25: {  	[simem:s6], [sflag:s4] =	dma.local [hbm:s3], $0xF7A  }
0x26: {  	[smem:$0x3F9D] =	sst s1;
	(tag) =	ssettag s2;
	_ =	strace s9  }
0x27: {  	s1 =	sld [smem:$0x3FAD]  }
0x28: {  	s2 =	sld [smem:$0x3FAE]  }
0x29: {  	s4 =	sld [smem:$0x3FB0]  }
0x2a: {  	p0 =	seq.s32 s5, $0x0;
	s5 =	sld [smem:$0x3FB1]  }
0x2b: {  	s6 =	sld [smem:$0x3FB2]  }
0x2c: {  	s7 =	sld [smem:$0x3FB3]  }
0x2d: {  	s3 =	simm.s32 $0x108;
	s8 =	sld [smem:$0x3FB4]  }
0x2e: {  	s3 =	simm.s32 @!p0 $0x1082;
	s9 =	sld [smem:$0x3FB5]  }
0x2f: {  	lr =	sadd.s32 s0, s3;
	s0 =	sld [smem:$0x3FAC]  }
0x30: {  	s3 =	sld [smem:$0x3FAF]  }
0x31: {  	[smem:$0x3FB8] =	sst s10  }
0x32: {  	s10 =	sld [smem:$0x3FB6];
	_ =	sdelay $0x3  }
0x33: {  	p0 =	seq.s32 s10, $0x1;
	s10 =	sld [smem:$0x3FB8];
	_ =	sdelay $0x3  }
0x34: {  	[smem:$0x3FB8] =	sst s10  }
0x35: {  	s10 =	sld [smem:$0x3FB7];
	_ =	sdelay $0x3  }
0x36: {  	p1 =	seq.s32 s10, $0x1;
	s10 =	sld [smem:$0x3FB8];
	_ =	sdelay $0x3  }
0x37: {  	[smem:$0x3FB8] =	sst s10  }
0x38: {  	s10 =	sld [smem:$0x3FB9]  }
0x39: {  	_ = 	snop;
	(pc) =	sbr.ind lr, $3  }
0x3a: {  	_ = 	snop  }
0x3b: {  	_ = 	snop  }
0x3c: {  	p2 =	seq.s32 s10, $0x1;
	s10 =	sld [smem:$0x3FB8]  }
0x3d: {  	_ =	shalt  }
0x3e: {  	_ =	shalt  }
0x3f: {  	_ =	shalt  }
0x40: {  	_ =	shalt  }
0x41: {  	_ =	shalt  }
0x42: {  	_ =	shalt  }
0x43: {  	_ =	shalt  }
0x44: {  	_ =	shalt  }
0x45: {  	_ =	shalt  }
0x46: {  	_ =	shalt  }
0x47: {  	_ =	shalt  }
0x48: {  	_ =	shalt  }
0x49: {  	_ =	shalt  }
0x4a: {  	_ =	shalt  }
0x4b: {  	_ =	shalt  }
0x4c: {  	_ =	shalt  }
0x4d: {  	_ =	shalt  }
0x4e: {  	_ =	shalt  }
0x4f: {  	_ =	shalt  }
0x50: {  	_ =	shalt  }
0x51: {  	_ =	shalt  }
0x52: {  	_ =	shalt  }
0x53: {  	_ =	shalt  }
0x54: {  	_ =	shalt  }
0x55: {  	_ =	shalt  }
0x56: {  	_ =	shalt  }
0x57: {  	_ =	shalt  }
0x58: {  	_ =	shalt  }
0x59: {  	_ =	shalt  }
0x5a: {  	_ =	shalt  }
0x5b: {  	_ =	shalt  }
0x5c: {  	_ =	shalt  }
0x5d: {  	_ =	shalt  }
0x5e: {  	_ =	shalt  }
0x5f: {  	_ =	shalt  }
0x60: {  	_ =	shalt  }
0x61: {  	_ =	shalt  }
0x62: {  	_ =	shalt  }
0x63: {  	_ =	shalt  }
0x64: {  	_ =	shalt  }
0x65: {  	_ =	shalt  }
0x66: {  	_ =	shalt  }
0x67: {  	_ =	shalt  }
0x68: {  	_ =	shalt  }
0x69: {  	_ =	shalt  }
0x6a: {  	_ =	shalt  }
0x6b: {  	_ =	shalt  }
0x6c: {  	_ =	shalt  }
0x6d: {  	_ =	shalt  }
0x6e: {  	_ =	shalt  }
0x6f: {  	_ =	shalt  }
0x70: {  	_ =	shalt  }
0x71: {  	_ =	shalt  }
0x72: {  	_ =	shalt  }
0x73: {  	_ =	shalt  }
0x74: {  	_ =	shalt  }
0x75: {  	_ =	shalt  }
0x76: {  	_ =	shalt  }
0x77: {  	_ =	shalt  }
0x78: {  	_ =	shalt  }
0x79: {  	_ =	shalt  }
0x7a: {  	_ =	shalt  }
0x7b: {  	_ =	shalt  }
0x7c: {  	_ =	shalt  }
0x7d: {  	_ =	shalt  }
0x7e: {  	_ =	shalt  }
0x7f: {  	_ =	shalt  }
0x80: {  	_ =	shalt  }
0x81: {  	_ =	shalt  }
0x82: {  	_ =	shalt  }
0x83: {  	_ =	shalt  }
0x84: {  	_ =	shalt  }
0x85: {  	_ =	shalt  }
0x86: {  	_ =	shalt  }
0x87: {  	_ =	shalt  }
.Lfunc_end0:
.L_simem_size_0:
called_computation_lowered:
.L_overlay_start_0:
0x88: {  	s2 =	sld [smem:$0x3FD9]  }
0x89: {  	s3 =	sld [smem:$0x3FFE];
	_ =	sdelay $0x1  }
0x8a: {  	s1 =	srdreg.scid  }
0x8b: {  	s0 =	sand.u32 $0x1, s1  }
0x8c: {  	s17 =	sshll.u32 s0, $0xA;
	s2 =	sadd.s32 s3, s2  }
0x8d: {  	s2 =	sadd.s32 s2, s17  }
0x8e: {  	[smem:$0x3FC4] =	sst s2  }
0x8f: {  	_ = 	snop  }
0x90: {  	s2 =	sld [smem:$0x3FD0];
	(tm) =	ssettm $0x1  }
0x91: {  	s18 =	sld [smem:$0x3FFB];
	_ =	sdelay $0x3  }
0x92: {  	_ =	strace s18  }
0x93: {  	s3 =	sld [smem:$0x3FFC];
	_ =	sdelay $0x3  }
0x94: {  	_ =	strace s3  }
0x95: {  	s3 =	sld [smem:$0x3FFD];
	_ =	sdelay $0x3  }
0x96: {  	_ =	strace s3  }
0x97: {  	_ =	strace $0x8FFFFFFF  }
0x98: {  	s19 =	sld [smem:$0x3FDB];
	_ =	sdelay $0x1  }
0x99: {  	s4 =	simm.s32 $_scs_section_size  }
0x9a: {  	s5 =	simm.s32 $_size__tile_overlayer_lowered;
	s6 =	simm.s32 $_tile_overlayer_lowered  }
0x9b: {  	s22 =	simm.s32 $0x1BFF;
	s21 =	sshll.u32 s6, $0x1;
	s3 =	sadd.s32 s4, s19  }
0x9c: {  	s7 =	simm.s32 $0x0;
	s20 =	sshll.u32 s5, $0x1;
	s5 =	sadd.s32 s21, s3  }
0x9d: {  	[timem:s7], [sflag:s22] =	dma.local [hbm:s5], s20  }
0x9e: {  	_ =	swait.ge [sflag:s22], s20  }
0x9f: {  	s4 =	ssub.s32 $0x0, s20;
	[sflag:s22] =	ssyncset.done $0x0  }
0xa0: {  	[sflag:s22] =	ssyncadd.s32 s4;
	_ =	sdelay $0x1  }
0xa1: {  	s23 =	simm.s32 $0x1B8B  }
0xa2: {  	_ =	swait.ge [sflag:s23], $0x1  }
0xa3: {  	[sflag:s23] =	ssyncset.done $0x0  }
0xa4: {  	s25 =	simm.s32 $0x1B8E;
	s24 =	sld [smem:$0x3FFE];
	[sflag:s23] =	ssyncadd.s32 $0xFFFFFFFF  }
0xa5: {  	s26 =	simm.s32 $execute0_lowered;
	[smem:$0x3FD2] =	sst s25  }
0xa6: {  	s5 =	sshll.u32 s26, $0x1;
	_ =	strace $0x80000046;
	[dreg:$0x1] =	wrdreg $0xFFFFFFFF  }
0xa7: {  	s28 =	simm.s32 $_size_execute0_lowered;
	s3 =	sadd.s32 s3, s5;
	[dreg:$0x0] =	wrdreg $0x0  }
0xa8: {  	s5 =	sshll.u32 s28, $0x1;
	[dreg:$0x2] =	wrdreg s3  }
0xa9: {  	[dreg:$0x3] =	wrdreg s5  }
0xaa: {  	[dreg:$0x4] =	wrdreg $0xC0  }
0xab: {  	_ =	task [dreg:s7], $0x5FFFF  }
0xac: {  	[dreg:$0x1] =	wrdreg $0xFFFFFFFF  }
0xad: {  	[dreg:$0x0] =	wrdreg $0x60  }
0xae: {  	[dreg:$0x2] =	wrdreg s2  }
0xaf: {  	[dreg:$0x3] =	wrdreg s24  }
0xb0: {  	[dreg:$0x4] =	wrdreg $0x0  }
0xb1: {  	[dreg:$0x5] =	wrdreg $0x9  }
0xb2: {  	_ =	task.clear_ibuf [dreg:s7], $0x6FFFF;
	_ =	strace $0x90000046  }
0xb3: {  	s29 =	simm.s32 $0x9;
	_ =	strace $0x80000048  }
0xb4: {  	_ =	swait.ge [sflag:s29], $0x1  }
0xb5: {  	[sflag:s29] =	ssyncadd.s32 $0xFFFFFFFF  }
0xb6: {  	_ =	strace $0x90000048  }
0xb7: {  	_ =	sfence  }
0xb8: {  	s30 =	sld [smem:$0x0];
	_ =	sdelay $0x2  }
0xb9: {  	s31 =	sshll.u32 s1, $0xD;
	s1 =	sshrl.u32 s1, $0x2  }
0xba: {  	s3 =	sand.u32 $0x4000, s31;
	s1 =	sadd.s32 s1, s30  }
0xbb: {  	s0 =	sor.u32 s3, s0;
	s1 =	sshll.u32 s1, $0x11  }
0xbc: {  	s0 =	sor.u32 s1, s0  }
0xbd: {  	s0 =	sadd.s32 $0x8F2B, s0  }
0xbe: {  	[sflag:s0] =	ssyncadd.remote.s32 $0x1  }
0xbf: {  	_ =	sfence.sel $0xFFFF  }
0xc0: {  	[dreg:$0x0] =	wrdreg $0xFFFFFFFF;
	(pc) =	sbr.abs _section_cstart, $3  }
0xc1: {  	[dreg:$0x1] =	wrdreg $0xFFFFFFFF  }
0xc2: {  	_ =	task.clear_ibuf [dreg:s7], $0x2FFFF;
	_ =	strace $0x9FFFFFFF  }
0xc3: {  	(tm) =	ssettm $0x7FFFFFFF  }
tec
execute0_lowered:
.L_overlay_start_1:
0x0: {  	(tag) =	ssettag $0x1  }
0x1: {  	s1 =	rddreg [dreg:$0x0]  }
0x2: {  	s6 =	rddreg [dreg:$0x1]  }
0x3: {  	s0 =	srdreg.scid;
	s2 =	rddreg [dreg:$0x2]  }
0x4: {  	s4 =	simm.s32 $0x0;
	s3 =	stileid.u32;
	s14 =	simm.s32 $0x13C80  }
0x5: {  	s15 =	simm.s32 $0x80;
	s16 =	simm.s32 $0x13D00;
	s9 =	smul.u32 $0x13C00, s3  }
0x6: {  	s17 =	simm.s32 $0x1;
	s18 =	simm.s32 $0x0;
	s28 =	smul.u32 $0x4F000, s3  }
0x7: {  	s7 =	sand.u32 $0x1, s0;
	s0 =	rddreg [dreg:$0x3];
	s11 =	smul.u32 $0x500, s3  }
0x8: {  	[smem:$0x7FF] =	sst s4;
	s31 =	sshll.u32 s3, $0x6;
	s5 =	smul.u32 $0x5000, s7  }
0x9: {  	s8 =	smul.u32 $0x13C000, s7;
	_ =	strace $0x80000047;
	s7 =	ssub.s32 $0x2, s7  }
0xa: {  	s29 =	sshrl.u32 s7, $0x1;
	s30 =	sshrl.u32 s28, $0x2;
	s10 =	sadd.s32 s5, s6  }
0xb: {  	s5 =	sadd.s32 $0x14E00, s6;
	s8 =	sadd.s32 s9, s8;
	s12 =	ssub.s32 s7, s29  }
0xc: {  	s13 =	sadd.s32 s30, s2;
	s8 =	sshrl.u32 s8, $0x3;
	s10 =	sadd.s32 s11, s10  }
0xd: {  	s11 =	sshrl.u32 s13, $0x3;
	s13 =	simm.s32 $0x13C00;
	s8 =	sadd.s32 s8, s6  }
0xe: {  	s6 =	sor.u32 $0x1C02, s31;
	s9 =	sadd.s32 $0xE00, s10;
	s10 =	sadd.s32 $0xAE00, s10  }
0xf: {  	s7 =	sadd.s32 $0x17600, s8;
	s8 =	smax.u32 s12, $0x1;
	s12 =	simm.s32 $0x2  }
.LBB2_1:
0x10: {  	[spmem:s11], [sflag:s6] =	dma.local [hbm:s5], $0x2780  }
0x11: {  	_ =	swait.ge [sflag:s12], $0x2780  }
0x12: {  	[sflag:s12] =	ssyncset.done $0x0  }
0x13: {  	[sflag:s12] =	ssyncadd.s32 $0xFFFFD880  }
0x14: {  	s19 =	sadd.s32 $0x0, s10;
	[bflag:$0x0] =	sbarrier.arrive $0xFFFF  }
0x15: {  	[tilespmem:s13], [sflag:$0x2] =	stream.linear.gather [hbm4b:s19+s4], $0x80, $0x38;
	[tilespmem:$0x17D00] =	vst v63  }
0x16: {  	_ =	swait.ge [sflag:s12], $0x80  }
0x17: {  	[sflag:s12] =	ssyncset.done $0x0  }
0x18: {  	s31 =	sadd.s32 $0x0, s9;
	[sflag:s12] =	ssyncadd.s32 $0xFFFFFF80  }
0x19: {  	[tilespmem:s14], [sflag:$0x2] =	stream.linear.gather [hbm4b:s31+s4], $0x80, $0x38;
	[tilespmem:$0x17D00] =	vst v63  }
0x1a: {  	_ =	swait.ge [sflag:s12], $0x80  }
0x1b: {  	[sflag:s12] =	ssyncset.done $0x0  }
0x1c: {  	[sflag:s12] =	ssyncadd.s32 $0xFFFFFF80  }
0x1d: {  	[tilespmem:s16], [sflag:$0x1] =	stream.indirect.gather [hbm4b:s1+s15], $0x80, s13, s15, $0xb8;
	[tilespmem:$0x17D00] =	vst v63  }
0x1e: {  	_ =	swait.ge [sflag:s17], $0x4000  }
0x1f: {  	[sflag:s17] =	ssyncset.done $0x0  }
0x20: {  	[sflag:s17] =	ssyncadd.s32 $0xFFFFC000  }
0x21: {  	[spmem:s2] =	stream.indirect.scatter.add.f32 [tilespmem:s16], [sflag:$0x2], $0x80, s14, s15, $0xb8;
	[tilespmem:$0x17D00] =	vst v63  }
0x22: {  	_ =	swait.ge [sflag:s12], $0x4000  }
0x23: {  	s20 =	simm.s32 $0x20;
	s19 =	simm.s32 $0x10;
	[sflag:s12] =	ssyncset.done $0x0  }
.LBB2_2:
0x24: {  	s21 =	sadd.s32 s19, s10  }
0x25: {  	[sflag:s12] =	ssyncadd.s32 $0xFFFFC000;
	s22 =	smov.u32 s20;
	s23 =	sadd.s32 $0x10, s20  }
0x26: {  	[tilespmem:s13], [sflag:$0x2] =	stream.linear.gather [hbm4b:s21+s4], $0x80, $0x38;
	[tilespmem:$0x17D00] =	vst v63  }
0x27: {  	p0 =	sne.s32 s20, $0x4F0;
	_ =	swait.ge [sflag:s12], $0x80  }
0x28: {  	[sflag:s12] =	ssyncset.done $0x0  }
0x29: {  	s20 =	sadd.s32 s19, s9;
	s19 =	smov.u32 s22;
	[sflag:s12] =	ssyncadd.s32 $0xFFFFFF80  }
0x2a: {  	[tilespmem:s14], [sflag:$0x2] =	stream.linear.gather [hbm4b:s20+s4], $0x80, $0x38;
	[tilespmem:$0x17D00] =	vst v63  }
0x2b: {  	_ =	swait.ge [sflag:s12], $0x80  }
0x2c: {  	[sflag:s12] =	ssyncset.done $0x0  }
0x2d: {  	[sflag:s12] =	ssyncadd.s32 $0xFFFFFF80  }
0x2e: {  	[tilespmem:s16], [sflag:$0x1] =	stream.indirect.gather [hbm4b:s1+s15], $0x80, s13, s15, $0xb8;
	[tilespmem:$0x17D00] =	vst v63  }
0x2f: {  	_ =	swait.ge [sflag:s17], $0x4000  }
.Ltmp0:
0x30: {  	[sflag:s17] =	ssyncset.done $0x0;
	(pc) =	sbr.rel @p0 .LBB2_2-.Ltmp0, $4  }
0x31: {  	[sflag:s17] =	ssyncadd.s32 $0xFFFFC000  }
0x32: {  	[spmem:s2] =	stream.indirect.scatter.add.f32 [tilespmem:s16], [sflag:$0x2], $0x80, s14, s15, $0xb8;
	[tilespmem:$0x17D00] =	vst v63  }
0x33: {  	_ =	swait.ge [sflag:s12], $0x4000  }
0x34: {  	s20 =	smov.u32 s23;
	[sflag:s12] =	ssyncset.done $0x0  }
0x35: {  	s20 =	sadd.s32 s19, s10;
	[sflag:s12] =	ssyncadd.s32 $0xFFFFC000  }
0x36: {  	[tilespmem:s13], [sflag:$0x2] =	stream.linear.gather [hbm4b:s20+s4], $0x80, $0x38;
	[tilespmem:$0x17D00] =	vst v63  }
0x37: {  	_ =	swait.ge [sflag:s12], $0x80  }
0x38: {  	[sflag:s12] =	ssyncset.done $0x0  }
0x39: {  	s31 =	sadd.s32 s19, s9;
	[sflag:s12] =	ssyncadd.s32 $0xFFFFFF80  }
0x3a: {  	[tilespmem:s14], [sflag:$0x2] =	stream.linear.gather [hbm4b:s31+s4], $0x80, $0x38;
	[tilespmem:$0x17D00] =	vst v63  }
0x3b: {  	_ =	swait.ge [sflag:s12], $0x80  }
0x3c: {  	[sflag:s12] =	ssyncset.done $0x0  }
0x3d: {  	[sflag:s12] =	ssyncadd.s32 $0xFFFFFF80  }
0x3e: {  	[tilespmem:s16], [sflag:$0x1] =	stream.indirect.gather [hbm4b:s1+s15], $0x80, s13, s15, $0xb8;
	[tilespmem:$0x17D00] =	vst v63  }
0x3f: {  	_ =	swait.ge [sflag:s17], $0x4000  }
0x40: {  	[sflag:s17] =	ssyncset.done $0x0  }
0x41: {  	[sflag:s17] =	ssyncadd.s32 $0xFFFFC000  }
0x42: {  	[spmem:s2] =	stream.indirect.scatter.add.f32 [tilespmem:s16], [sflag:$0x2], $0x80, s14, s15, $0xb8;
	[tilespmem:$0x17D00] =	vst v63  }
0x43: {  	_ =	swait.ge [sflag:s12], $0x4000  }
0x44: {  	[sflag:s12] =	ssyncset.done $0x0  }
0x45: {  	s18 =	sadd.s32 $0x1, s18;
	[sflag:s12] =	ssyncadd.s32 $0xFFFFC000  }
0x46: {  	p0 =	sne.s32 s18, s8;
	[bflag:$0x0] =	sbarrier.arrive $0xFFFF  }
.Ltmp1:
0x47: {  	[bflag:$0x0] =	sbarrier.arrive $0xFFFF;
	(pc) =	sbr.rel @p0 .LBB2_1-.Ltmp1, $4  }
0x48: {  	[hbm:s7], [sflag:s6] =	dma.local [spmem:s11], $0x2780  }
0x49: {  	_ =	swait.ge [sflag:s12], $0x2780  }
0x4a: {  	[sflag:s12] =	ssyncset.done $0x0  }
0x4b: {  	[sflag:s12] =	ssyncadd.s32 $0xFFFFD880  }
0x4c: {  	_ =	sfence.sel $0x180000  }
0x4d: {  	[bflag:$0x0] =	sbarrier.arrive $0xFFFF  }
0x4e: {  	p0 =	sne.s32 s3, $0x0;
	_ =	strace $0x90000047  }
0x4f: {  	s0 =	sadd.s32 @!p0 $0x100000, s0;
	[bflag:$0x2] =	sbarrier.arrive $0xFFFF  }
0x50: {  	[sflag:s0] =	ssyncadd.tile.s32 @!p0 $0x1;
	_ =	shalt  }
.Lfunc_end2:
_tile_overlayer_lowered:
.L_overlay_start_2:
0x51: {  	(tag) =	ssettag $0x2  }
0x52: {  	s0 =	rddreg [dreg:$0x0];
	s2 =	stileid.u32  }
0x53: {  	s1 =	rddreg [dreg:$0x1];
	p0 =	sne.s32 s2, $0x0  }
0x54: {  	s3 =	rddreg [dreg:$0x2];
	[bflag:$0x3] =	sbarrier.arrive $0xFFFF;
	s2 =	simm.s32 @!p0 $0x1C02  }
0x55: {  	[timem:s3], [sflag:s2] =	dma.local @!p0 [hbm:s0], s1  }
0x56: {  	s0 =	simm.s32 @!p0 $0x2  }
0x57: {  	_ =	swait.ge @!p0 [sflag:s0], s1  }
0x58: {  	s1 =	ssub.s32 @!p0 $0x0, s1;
	[sflag:s0] =	ssyncset.done @!p0 $0x0  }
0x59: {  	[sflag:s0] =	ssyncadd.s32 @!p0 s1  }
0x5a: {  	[bflag:$0x3] =	sbarrier.arrive $0xFFFF  }
0x5b: {  	_ =	shalt  }

</sc_bundles>
